<compile_context>
chip_gen: v7x
topology: tpu7x:2x2x1
jax: 0.10.2.dev20260603
libtpu: 0.0.44.dev20260713+nightly
codegen_flags: <defaults>
</compile_context>

<pallas_src>
import functools

import jax
import jax.numpy as jnp
from jax import lax
from jax.experimental import pallas as pl
from jax.experimental.pallas import tpu as pltpu
from jax.experimental.pallas import tpu_sc as plsc

N = 10000
E = 320000
IN_DIM = 128
HID = 64
HEADS = 4
NUM_GRAPHS = 128

NP = 10240
RANGE = 320
ETOT = E + N
ECH = 2048
BCH = 8192
NCH = (ETOT + BCH - 1) // BCH
EP = NCH * BCH
CAP = EP + BCH
ACCW = (RANGE + 1) * 256

_mesh = plsc.VectorSubcoreMesh(core_axis_name="c", subcore_axis_name="s")


def _wid():
    return lax.axis_index("s") * 2 + lax.axis_index("c")


def _s0_body(src_hbm, dst_hbm, psrc, pdst, cnts, sbuf_s, sbuf_d, sel_s, sel_d, cbuf):
    wid = _wid()
    d0 = wid * RANGE

    def chunk(c, carry):
        staged, flushed = carry
        pltpu.sync_copy(src_hbm.at[pl.ds(c * BCH, BCH)], sbuf_s)
        pltpu.sync_copy(dst_hbm.at[pl.ds(c * BCH, BCH)], sbuf_d)

        def vloop(v, st):
            sv = sbuf_s[pl.ds(v * 16, 16)]
            dv = sbuf_d[pl.ds(v * 16, 16)]
            d0v = jnp.full((16,), d0, jnp.int32)
            m = (dv >= d0v) & (dv < d0v + RANGE)
            mi = jnp.where(m, jnp.full((16,), 1, jnp.int32), jnp.full((16,), 0, jnp.int32))
            cs = plsc.cumsum(mi)
            pos = jnp.full((16,), st, jnp.int32) + cs - mi
            plsc.store_scatter(sel_s, [pos], sv, mask=m)
            plsc.store_scatter(sel_d, [pos], dv - d0v, mask=m)
            return st + jnp.max(plsc.all_reduce_population_count(m))

        staged = lax.fori_loop(0, BCH // 16, vloop, staged)
        pred = staged >= BCH

        @pl.when(pred)
        def _():
            pltpu.sync_copy(sel_s.at[pl.ds(0, BCH)], psrc.at[pl.ds(pl.multiple_of(wid * CAP + flushed, 8), BCH)])
            pltpu.sync_copy(sel_d.at[pl.ds(0, BCH)], pdst.at[pl.ds(pl.multiple_of(wid * CAP + flushed, 8), BCH)])

            def mv(v, _):
                sel_s[pl.ds(v * 16, 16)] = sel_s[pl.ds(BCH + v * 16, 16)]
                sel_d[pl.ds(v * 16, 16)] = sel_d[pl.ds(BCH + v * 16, 16)]
                return 0

            lax.fori_loop(0, BCH // 16, mv, 0)

        staged = jnp.where(pred, staged - BCH, staged)
        flushed = jnp.where(pred, flushed + BCH, flushed)
        return staged, flushed

    staged, flushed = lax.fori_loop(0, NCH, chunk, (jnp.int32(0), jnp.int32(0)))
    pltpu.sync_copy(sel_s.at[pl.ds(0, BCH)], psrc.at[pl.ds(pl.multiple_of(wid * CAP + flushed, 8), BCH)])
    pltpu.sync_copy(sel_d.at[pl.ds(0, BCH)], pdst.at[pl.ds(pl.multiple_of(wid * CAP + flushed, 8), BCH)])
    cbuf[...] = jnp.full((16,), flushed + staged, jnp.int32)
    pltpu.sync_copy(cbuf, cnts.at[pl.ds(wid * 16, 16)])


@jax.jit
def _s0(src, dst):
    f = pl.kernel(
        _s0_body,
        mesh=_mesh,
        compiler_params=pltpu.CompilerParams(needs_layout_passes=False),
        out_type=(
            jax.ShapeDtypeStruct((32 * CAP,), jnp.int32),
            jax.ShapeDtypeStruct((32 * CAP,), jnp.int32),
            jax.ShapeDtypeStruct((32 * 16,), jnp.int32),
        ),
        scratch_types=[
            pltpu.VMEM((BCH,), jnp.int32),
            pltpu.VMEM((BCH,), jnp.int32),
            pltpu.VMEM((2 * BCH + 16,), jnp.int32),
            pltpu.VMEM((2 * BCH + 16,), jnp.int32),
            pltpu.VMEM((16,), jnp.int32),
        ],
    )
    return f(src, dst)


def _s1_body(psrc, pdst, cnts, ast_hbm, adt_hbm, mout, sout, aout,
             tab_s, tab_d, macc, sacc, sbuf_s, sbuf_d, abuf, obm, obs, cbuf):
    wid = _wid()
    d0 = wid * RANGE
    iv = lax.iota(jnp.int32, 16)
    hv = iv & 3
    i4 = iv >> 2

    pltpu.sync_copy(ast_hbm, tab_s)
    pltpu.sync_copy(adt_hbm, tab_d)
    pltpu.sync_copy(cnts.at[pl.ds(wid * 16, 16)], cbuf)
    cnt = cbuf[pl.ds(0, 16)][0]

    def init(i, _):
        macc[pl.ds(i * 16, 16)] = jnp.full((16,), -3e38, jnp.float32)
        sacc[pl.ds(i * 16, 16)] = jnp.zeros((16,), jnp.float32)
        return 0

    lax.fori_loop(0, 4 * RANGE * 4 // 16, init, 0)

    nch = (cnt + ECH - 1) // ECH

    def chunk(c, _):
        pltpu.sync_copy(psrc.at[pl.ds(pl.multiple_of(wid * CAP + c * ECH, 8), ECH)], sbuf_s)
        pltpu.sync_copy(pdst.at[pl.ds(pl.multiple_of(wid * CAP + c * ECH, 8), ECH)], sbuf_d)

        def v(vi, _):
            eids = jnp.full((16,), vi * 4, jnp.int32) + i4
            valid = eids < jnp.full((16,), cnt - c * ECH, jnp.int32)
            srcx = plsc.load_gather(sbuf_s, [eids])
            dlx = plsc.load_gather(sbuf_d, [eids])
            d0v = jnp.full((16,), d0, jnp.int32)
            a_s = plsc.load_gather(tab_s, [srcx * 4 + hv], mask=valid)
            a_d = plsc.load_gather(tab_d, [(dlx + d0v) * 4 + hv], mask=valid)
            al = a_s + a_d
            al = jnp.where(al > 0, al, 0.2 * al)
            abuf[pl.ds(vi * 16, 16)] = al
            iacc = i4 * (RANGE * 4) + dlx * 4 + hv
            mo = plsc.load_gather(macc, [iacc], mask=valid)
            so = plsc.load_gather(sacc, [iacc], mask=valid)
            mn = jnp.maximum(mo, al)
            sn = so * jnp.exp(mo - mn) + jnp.exp(al - mn)
            plsc.store_scatter(macc, [iacc], mn, mask=valid)
            plsc.store_scatter(sacc, [iacc], sn, mask=valid)
            return 0

        lax.fori_loop(0, ECH // 4, v, 0)
        pltpu.sync_copy(abuf, aout.at[pl.ds(pl.multiple_of((wid * CAP + c * ECH) * 4, 8), ECH * 4)])
        return 0

    lax.fori_loop(0, nch, chunk, 0)

    def comb(j, _):
        off = pl.ds(j * 16, 16)
        m0 = macc[pl.ds(0 * RANGE * 4 + j * 16, 16)]
        m1 = macc[pl.ds(1 * RANGE * 4 + j * 16, 16)]
        m2 = macc[pl.ds(2 * RANGE * 4 + j * 16, 16)]
        m3 = macc[pl.ds(3 * RANGE * 4 + j * 16, 16)]
        s0 = sacc[pl.ds(0 * RANGE * 4 + j * 16, 16)]
        s1 = sacc[pl.ds(1 * RANGE * 4 + j * 16, 16)]
        s2 = sacc[pl.ds(2 * RANGE * 4 + j * 16, 16)]
        s3 = sacc[pl.ds(3 * RANGE * 4 + j * 16, 16)]
        M = jnp.maximum(jnp.maximum(m0, m1), jnp.maximum(m2, m3))
        S = (s0 * jnp.exp(m0 - M) + s1 * jnp.exp(m1 - M)
             + s2 * jnp.exp(m2 - M) + s3 * jnp.exp(m3 - M))
        obm[off] = M
        obs[off] = S
        return 0

    lax.fori_loop(0, RANGE * 4 // 16, comb, 0)
    pltpu.sync_copy(obm, mout.at[pl.ds(wid * RANGE * 4, RANGE * 4)])
    pltpu.sync_copy(obs, sout.at[pl.ds(wid * RANGE * 4, RANGE * 4)])


@jax.jit
def _s1(psrc, pdst, cnts, ast, adt):
    f = pl.kernel(
        _s1_body,
        mesh=_mesh,
        compiler_params=pltpu.CompilerParams(needs_layout_passes=False),
        out_type=(
            jax.ShapeDtypeStruct((32 * RANGE * 4,), jnp.float32),
            jax.ShapeDtypeStruct((32 * RANGE * 4,), jnp.float32),
            jax.ShapeDtypeStruct((32 * CAP * 4,), jnp.float32),
        ),
        scratch_types=[
            pltpu.VMEM((NP * 4,), jnp.float32),
            pltpu.VMEM((NP * 4,), jnp.float32),
            pltpu.VMEM((4 * RANGE * 4,), jnp.float32),
            pltpu.VMEM((4 * RANGE * 4,), jnp.float32),
            pltpu.VMEM((ECH,), jnp.int32),
            pltpu.VMEM((ECH,), jnp.int32),
            pltpu.VMEM((ECH * 4,), jnp.float32),
            pltpu.VMEM((RANGE * 4,), jnp.float32),
            pltpu.VMEM((RANGE * 4,), jnp.float32),
            pltpu.VMEM((16,), jnp.int32),
        ],
    )
    return f(psrc, pdst, cnts, ast, adt)


def _s2_body(psrc, pdst, cnts, aval, mrow, srow, h_hbm, ohbm,
             acc, sbuf_s, sbuf_d, abuf, mb, sb, rows, rows2, cbuf, sem, sem2):
    wid = _wid()
    iv = lax.iota(jnp.int32, 16)
    hv = iv & 3
    i4 = iv >> 2

    pltpu.sync_copy(cnts.at[pl.ds(wid * 16, 16)], cbuf)
    cnt = cbuf[pl.ds(0, 16)][0]
    pltpu.sync_copy(mrow.at[pl.ds(wid * RANGE * 4, RANGE * 4)], mb.at[pl.ds(0, RANGE * 4)])
    pltpu.sync_copy(srow.at[pl.ds(wid * RANGE * 4, RANGE * 4)], sb.at[pl.ds(0, RANGE * 4)])

    def init(i, _):
        acc[pl.ds(i * 16, 16)] = jnp.zeros((16,), jnp.float32)
        return 0

    lax.fori_loop(0, ACCW // 16, init, 0)

    nch = (cnt + ECH - 1) // ECH

    def chunk(c, _):
        pltpu.sync_copy(psrc.at[pl.ds(pl.multiple_of(wid * CAP + c * ECH, 8), ECH)], sbuf_s)
        pltpu.sync_copy(pdst.at[pl.ds(pl.multiple_of(wid * CAP + c * ECH, 8), ECH)], sbuf_d.at[pl.ds(0, ECH)])
        pltpu.sync_copy(aval.at[pl.ds(pl.multiple_of((wid * CAP + c * ECH) * 4, 8), ECH * 4)], abuf.at[pl.ds(0, ECH * 4)])
        rem = jnp.minimum(cnt - c * ECH, ECH)

        def pre(vi, _):
            off = pl.ds(vi * 16, 16)
            sv = sbuf_s[off]
            dv = sbuf_d[off]
            valid = (jnp.full((16,), vi * 16, jnp.int32) + iv) < jnp.full((16,), rem, jnp.int32)
            sbuf_s[off] = jnp.where(valid, sv, 0)
            sbuf_d[off] = jnp.where(valid, dv, RANGE)
            return 0

        lax.fori_loop(0, ECH // 16, pre, 0)

        def pre2(vi, _):
            off = pl.ds(vi * 16, 16)
            eids = jnp.full((16,), vi * 4, jnp.int32) + i4
            dlx = plsc.load_gather(sbuf_d, [eids])
            alv = abuf[off]
            mg = plsc.load_gather(mb, [dlx * 4 + hv])
            sg = plsc.load_gather(sb, [dlx * 4 + hv])
            abuf[off] = jnp.exp(alv - mg) / (sg + 1e-16)
            return 0

        lax.fori_loop(0, ECH // 4, pre2, 0)

        nb = (rem + 15) // 16

        def process(b, rbuf):
            dvec = sbuf_d[pl.ds(b * 16, 16)]
            avecs = [abuf[pl.ds(b * 64 + j * 16, 16)] for j in range(4)]
            for i in range(16):
                dl = dvec[i]
                base = dl * 256
                av = avecs[i // 4]
                ah = [jnp.full((16,), av[(i % 4) * 4 + h], jnp.float32)
                      for h in range(4)]
                for f in range(16):
                    plsc.addupdate(acc.at[pl.ds(base + f * 16, 16)],
                                   rbuf[i, pl.ds(f * 16, 16)] * ah[f // 4])

        @pl.when(nb > 0)
        def _():
            pltpu.async_copy(h_hbm.at[sbuf_s.at[pl.ds(0, 16)]], rows, sem)

        def batch(b, _):
            even = (b % 2) == 0

            @pl.when(b + 1 < nb)
            def _():
                nxt = sbuf_s.at[pl.ds((b + 1) * 16, 16)]

                @pl.when(even)
                def _():
                    pltpu.async_copy(h_hbm.at[nxt], rows2, sem2)

                @pl.when(jnp.logical_not(even))
                def _():
                    pltpu.async_copy(h_hbm.at[nxt], rows, sem)

            @pl.when(even)
            def _():
                pltpu.make_async_copy(
                    h_hbm.at[sbuf_s.at[pl.ds(b * 16, 16)]], rows, sem).wait()
                process(b, rows)

            @pl.when(jnp.logical_not(even))
            def _():
                pltpu.make_async_copy(
                    h_hbm.at[sbuf_s.at[pl.ds(b * 16, 16)]], rows2, sem2).wait()
                process(b, rows2)

            return 0

        lax.fori_loop(0, nb, batch, 0)
        return 0

    lax.fori_loop(0, nch, chunk, 0)
    pltpu.sync_copy(acc.at[pl.ds(0, RANGE * 256)], ohbm.at[pl.ds(wid * RANGE * 256, RANGE * 256)])


@jax.jit
def _s2(psrc, pdst, cnts, aval, mrow, srow, h):
    f = pl.kernel(
        _s2_body,
        mesh=_mesh,
        compiler_params=pltpu.CompilerParams(needs_layout_passes=False),
        out_type=jax.ShapeDtypeStruct((32 * RANGE * 256,), jnp.float32),
        scratch_types=[
            pltpu.VMEM((ACCW,), jnp.float32),
            pltpu.VMEM((ECH,), jnp.int32),
            pltpu.VMEM((ECH + 16,), jnp.int32),
            pltpu.VMEM((ECH * 4 + 16,), jnp.float32),
            pltpu.VMEM((RANGE * 4 + 16,), jnp.float32),
            pltpu.VMEM((RANGE * 4 + 16,), jnp.float32),
            pltpu.VMEM((16, 256), jnp.float32),
            pltpu.VMEM((16, 256), jnp.float32),
            pltpu.VMEM((16,), jnp.int32),
            pltpu.SemaphoreType.DMA,
            pltpu.SemaphoreType.DMA,
        ],
    )
    return f(psrc, pdst, cnts, aval, mrow, srow, h)


def _t1_body(x_ref, w_ref, as_ref, ad_ref, h_ref, asr_ref, adr_ref):
    h = jnp.dot(x_ref[...], w_ref[...], preferred_element_type=jnp.float32)
    h_ref[...] = h
    asr_ref[...] = jnp.dot(h, as_ref[...], preferred_element_type=jnp.float32)
    adr_ref[...] = jnp.dot(h, ad_ref[...], preferred_element_type=jnp.float32)


def _t1(x, w, As, Ad):
    d = x.shape[1]
    return pl.pallas_call(
        _t1_body,
        grid=(8,),
        in_specs=[
            pl.BlockSpec((NP // 8, d), lambda i: (i, 0)),
            pl.BlockSpec((d, 256), lambda i: (0, 0)),
            pl.BlockSpec((256, 4), lambda i: (0, 0)),
            pl.BlockSpec((256, 4), lambda i: (0, 0)),
        ],
        out_specs=[
            pl.BlockSpec((NP // 8, 256), lambda i: (i, 0)),
            pl.BlockSpec((NP // 8, 4), lambda i: (i, 0)),
            pl.BlockSpec((NP // 8, 4), lambda i: (i, 0)),
        ],
        out_shape=[
            jax.ShapeDtypeStruct((NP, 256), jnp.float32),
            jax.ShapeDtypeStruct((NP, 4), jnp.float32),
            jax.ShapeDtypeStruct((NP, 4), jnp.float32),
        ],
    )(x, w, As, Ad)


def _t2_body(o_ref, b_ref, batch_ref, hn_ref, pool_ref):
    o = o_ref[...]
    mean = (o[:, 0:64] + o[:, 64:128] + o[:, 128:192] + o[:, 192:256]) * 0.25
    hn = jnp.maximum(mean + b_ref[...], 0.0)
    hn_ref[...] = hn
    bv = batch_ref[0, 0, :]
    gid = lax.broadcasted_iota(jnp.int32, (NP // 8, NUM_GRAPHS), 1).astype(jnp.float32)
    oh = (bv[:, None] == gid).astype(jnp.float32)
    pp = lax.dot_general(oh, hn, (((0,), (0,)), ((), ())),
                         preferred_element_type=jnp.float32)

    @pl.when(pl.program_id(0) == 0)
    def _():
        pool_ref[...] = jnp.zeros_like(pool_ref)

    pool_ref[...] += pp


def _t2(o, b, batch3):
    return pl.pallas_call(
        _t2_body,
        grid=(8,),
        in_specs=[
            pl.BlockSpec((NP // 8, 256), lambda i: (i, 0)),
            pl.BlockSpec((1, HID), lambda i: (0, 0)),
            pl.BlockSpec((1, 1, NP // 8), lambda i: (i, 0, 0)),
        ],
        out_specs=[
            pl.BlockSpec((NP // 8, HID), lambda i: (i, 0)),
            pl.BlockSpec((NUM_GRAPHS, HID), lambda i: (0, 0)),
        ],
        out_shape=[
            jax.ShapeDtypeStruct((NP, HID), jnp.float32),
            jax.ShapeDtypeStruct((NUM_GRAPHS, HID), jnp.float32),
        ],
    )(o, b, batch3)


def _t3_body(p0_ref, p1_ref, p2_ref, pw_ref, pb_ref, out_ref):
    p0, p1, p2 = p0_ref[...], p1_ref[...], p2_ref[...]
    pw = pw_ref[...]
    pb = pb_ref[0, 0]
    s0 = jnp.dot(p0, pw, preferred_element_type=jnp.float32) + pb
    s1 = jnp.dot(p1, pw, preferred_element_type=jnp.float32) + pb
    s2 = jnp.dot(p2, pw, preferred_element_type=jnp.float32) + pb
    m = jnp.maximum(jnp.maximum(s0, s1), s2)
    e0 = jnp.exp(s0 - m)
    e1 = jnp.exp(s1 - m)
    e2 = jnp.exp(s2 - m)
    out_ref[...] = (e0 * p0 + e1 * p1 + e2 * p2) / (e0 + e1 + e2)


def _t3(p0, p1, p2, pw, pb):
    return pl.pallas_call(
        _t3_body,
        in_specs=[
            pl.BlockSpec((NUM_GRAPHS, HID), lambda: (0, 0)),
            pl.BlockSpec((NUM_GRAPHS, HID), lambda: (0, 0)),
            pl.BlockSpec((NUM_GRAPHS, HID), lambda: (0, 0)),
            pl.BlockSpec((HID, 1), lambda: (0, 0)),
            pl.BlockSpec((1, 1), lambda: (0, 0)),
        ],
        out_specs=pl.BlockSpec((NUM_GRAPHS, HID), lambda: (0, 0)),
        out_shape=jax.ShapeDtypeStruct((NUM_GRAPHS, HID), jnp.float32),
    )(p0, p1, p2, pw, pb)


def _attmat(att):
    return (att[0][:, :, None] * jnp.eye(HEADS, dtype=jnp.float32)[:, None, :]).reshape(HEADS * HID, HEADS)


def kernel(x, edge_index, batch, W0, att_src0, att_dst0, b0, W1, att_src1, att_dst1, b1, W2, att_src2, att_dst2, b2, proj_W, proj_b):
    loop = jnp.arange(N, dtype=jnp.int32)
    src = jnp.concatenate([edge_index[0], loop,
                           jnp.zeros((EP - ETOT,), jnp.int32)])
    dst = jnp.concatenate([edge_index[1], loop,
                           jnp.full((EP - ETOT,), NP - 1, jnp.int32)])
    psrc, pdst, cnts = _s0(src, dst)

    x_pad = jnp.concatenate([x, jnp.zeros((NP - N, IN_DIM), jnp.float32)])
    batch3 = jnp.concatenate([batch, jnp.full((NP - N,), NUM_GRAPHS, jnp.int32)]
                             ).astype(jnp.float32).reshape(8, 1, NP // 8)

    params = [(W0, att_src0, att_dst0, b0), (W1, att_src1, att_dst1, b1),
              (W2, att_src2, att_dst2, b2)]
    h = x_pad
    pooled = []
    for (W, a_s, a_d, b) in params:
        h256, asr, adr = _t1(h, W, _attmat(a_s), _attmat(a_d))
        m32, s32, aval = _s1(psrc, pdst, cnts, asr.reshape(-1), adr.reshape(-1))
        o32 = _s2(psrc, pdst, cnts, aval, m32, s32, h256)
        h, pool = _t2(o32.reshape(NP, 256), b.reshape(1, HID), batch3)
        pooled.append(pool)

    return _t3(pooled[0], pooled[1], pooled[2], proj_W, proj_b.reshape(1, 1))

# --- scband reference (transcript-rebuilt; emitter-appended) ---
"""Pipeline reference for scband-drug-graph-encoder-60052232733141 (READ-ONLY COPY).

The authoritative reference and input builder live on the scoring server;
editing this copy changes nothing except your own understanding.
"""

import jax, jax.numpy as jnp
import numpy as np

N = 10000
E = 320000
IN_DIM = 128
HID = 64
HEADS = 4
NUM_GRAPHS = 128
NUM_LAYERS = 3


def setup_inputs(seed: int = 0):
    key = jax.random.key(seed)
    ks = jax.random.split(key, 32)
    inp = {}
    inp["x"] = jax.random.normal(ks[0], (N, IN_DIM), dtype=jnp.float32)
    inp["edge_index"] = jax.random.randint(ks[1], (2, E), 0, N, dtype=jnp.int32)
    inp["batch"] = jnp.sort(jax.random.randint(ks[2], (N,), 0, NUM_GRAPHS, dtype=jnp.int32))
    dims = [IN_DIM, HID, HID]
    for i in range(NUM_LAYERS):
        d_in = dims[i]
        inp[f"W{i}"] = jax.random.normal(ks[3 + 4 * i], (d_in, HEADS * HID), dtype=jnp.float32) * (1.0 / np.sqrt(d_in))
        inp[f"att_src{i}"] = jax.random.normal(ks[4 + 4 * i], (1, HEADS, HID), dtype=jnp.float32) * 0.1
        inp[f"att_dst{i}"] = jax.random.normal(ks[5 + 4 * i], (1, HEADS, HID), dtype=jnp.float32) * 0.1
        inp[f"b{i}"] = jnp.zeros((HID,), dtype=jnp.float32)
    inp["proj_W"] = jax.random.normal(ks[20], (HID, 1), dtype=jnp.float32) * 0.1
    inp["proj_b"] = jnp.zeros((1,), dtype=jnp.float32)
    return inp


def _gat_layer(x, src, dst, W, att_src, att_dst, b):
    # PyG GATConv with concat=False: shared lin for src/dst, per-head attention,
    # edge softmax over incoming edges per dst node, mean over heads, then bias.
    h = (x @ W).reshape(N, HEADS, HID)
    a_src = (h * att_src).sum(-1)  # [N, H]
    a_dst = (h * att_dst).sum(-1)  # [N, H]
    alpha = a_src[src] + a_dst[dst]  # [E+N, H]
    alpha = jnp.where(alpha > 0, alpha, 0.2 * alpha)  # leaky_relu(0.2)
    m = jax.lax.stop_gradient(jax.ops.segment_max(alpha, dst, num_segments=N))
    m = jnp.where(jnp.isfinite(m), m, 0.0)
    e = jnp.exp(alpha - m[dst])
    denom = jax.ops.segment_sum(e, dst, num_segments=N)
    a = e / (denom[dst] + 1e-16)
    out = jax.ops.segment_sum(h[src] * a[:, :, None], dst, num_segments=N)
    return out.mean(axis=1) + b


def reference(x, edge_index, batch, W0, att_src0, att_dst0, b0, W1, att_src1, att_dst1, b1, W2, att_src2, att_dst2, b2, proj_W, proj_b):
    # add self loops (PyG GATConv default add_self_loops=True)
    loop = jnp.arange(N, dtype=edge_index.dtype)
    src = jnp.concatenate([edge_index[0], loop])
    dst = jnp.concatenate([edge_index[1], loop])
    params = [(W0, att_src0, att_dst0, b0), (W1, att_src1, att_dst1, b1), (W2, att_src2, att_dst2, b2)]
    h = x
    pooled = []
    for (W, a_s, a_d, b) in params:
        h = jax.nn.relu(_gat_layer(h, src, dst, W, a_s, a_d, b))
        pooled.append(jax.ops.segment_sum(h, batch, num_segments=NUM_GRAPHS))  # global_add_pool
    hs = jnp.stack(pooled, axis=1)  # [B, L, HID]
    scores = (hs @ proj_W).squeeze(-1) + proj_b[0]  # [B, L]
    attn = jax.nn.softmax(scores, axis=1)
    return (hs * attn[:, :, None]).sum(axis=1)  # [B, HID]

if __name__ == "__main__":
    import jax
    _d = setup_inputs()
    print(jax.jit(kernel)(*tuple(_d.values())))

</pallas_src>

<mosaic_0001>
#map = affine_map<(d0, d1) -> (0)>
module attributes {stable_mosaic.version = 14 : i64} {
  func.func @_s0_body(%arg0: i32, %arg1: i32, %arg2: memref<335872xi32, #tpu.memory_space<hbm>>, %arg3: memref<335872xi32, #tpu.memory_space<hbm>>, %arg4: memref<11010048xi32, #tpu.memory_space<hbm>>, %arg5: memref<11010048xi32, #tpu.memory_space<hbm>>, %arg6: memref<512xi32, #tpu.memory_space<hbm>>, %arg7: memref<8192xi32, #tpu.memory_space<vmem>>, %arg8: memref<8192xi32, #tpu.memory_space<vmem>>, %arg9: memref<16400xi32, #tpu.memory_space<vmem>>, %arg10: memref<16400xi32, #tpu.memory_space<vmem>>, %arg11: memref<16xi32, #tpu.memory_space<vmem>>) attributes {dimension_semantics = [#tpu.dimension_semantics<core_parallel>, #tpu.dimension_semantics<subcore_parallel>], iteration_bounds = array<i64: 2, 16>, scalar_prefetch = 0 : i64, scratch_operands = 5 : i64, tpu.core_type = #tpu.core_type<sc_vector_subcore>, window_params = [{transform_indices = #map}, {transform_indices = #map}, {transform_indices = #map}, {transform_indices = #map}, {transform_indices = #map}]} {
    %mul3A = arith.constant 2 : i32
    %mul3A_0 = arith.muli %arg1, %mul3A : i32
    %add3A = arith.addi %mul3A_0, %arg0 : i32
    %mul3A_1 = arith.constant 320 : i32
    %mul3A_2 = arith.muli %add3A, %mul3A_1 : i32
    %scan3A = arith.constant 0 : i32
    %scan3A_3 = arith.constant 0 : i32
    %scan3A_4 = arith.constant 0 : i32
    %scan3A_5 = arith.constant 41 : i32
    %scan3A_6 = arith.addi %scan3A_4, %scan3A_5 : i32
    %scan3A_7 = arith.constant 1 : i32
    %scan3A_8:2 = scf.for %scan3A_21 = %scan3A_4 to %scan3A_6 step %scan3A_7 iter_args(%scan3A_22 = %scan3A, %scan3A_23 = %scan3A_3) -> (i32, i32)  : i32 {
      %mul3A_24 = arith.constant 8192 : i32
      %mul3A_25 = arith.muli %scan3A_21, %mul3A_24 : i32
      "tpu.region"() ({
        %run_scoped3A = tpu.sem_alloc : memref<!tpu.dma_semaphore, #tpu.memory_space<semaphore_mem>>
        %dma_start3A = tpu.memref_slice %arg2[%mul3A_25] : memref<335872xi32, #tpu.memory_space<hbm>> -> memref<8192xi32, #tpu.memory_space<hbm>>
        %dma_start3A_40 = tpu.memref_slice %arg2[%mul3A_25] : memref<335872xi32, #tpu.memory_space<hbm>> -> memref<8192xi32, #tpu.memory_space<hbm>>
        tpu.enqueue_dma source(%dma_start3A_40 : memref<8192xi32, #tpu.memory_space<hbm>>) target(%arg7 : memref<8192xi32, #tpu.memory_space<vmem>>) target_semaphore(%run_scoped3A : memref<!tpu.dma_semaphore, #tpu.memory_space<semaphore_mem>>)
        %dma_wait3A = tpu.memref_slice %arg2[%mul3A_25] : memref<335872xi32, #tpu.memory_space<hbm>> -> memref<8192xi32, #tpu.memory_space<hbm>>
        %dma_wait3A_41 = tpu.memref_slice %arg2[%mul3A_25] : memref<335872xi32, #tpu.memory_space<hbm>> -> memref<8192xi32, #tpu.memory_space<hbm>>
        tpu.wait_dma2 semaphore(%run_scoped3A : memref<!tpu.dma_semaphore, #tpu.memory_space<semaphore_mem>>) src(%dma_wait3A_41 : memref<8192xi32, #tpu.memory_space<hbm>>) dst(%arg7 : memref<8192xi32, #tpu.memory_space<vmem>>)
        tpu.yield
      }) : () -> ()
      %mul3A_26 = arith.constant 8192 : i32
      %mul3A_27 = arith.muli %scan3A_21, %mul3A_26 : i32
      "tpu.region"() ({
        %run_scoped3A = tpu.sem_alloc : memref<!tpu.dma_semaphore, #tpu.memory_space<semaphore_mem>>
        %dma_start3A = tpu.memref_slice %arg3[%mul3A_27] : memref<335872xi32, #tpu.memory_space<hbm>> -> memref<8192xi32, #tpu.memory_space<hbm>>
        %dma_start3A_40 = tpu.memref_slice %arg3[%mul3A_27] : memref<335872xi32, #tpu.memory_space<hbm>> -> memref<8192xi32, #tpu.memory_space<hbm>>
        tpu.enqueue_dma source(%dma_start3A_40 : memref<8192xi32, #tpu.memory_space<hbm>>) target(%arg8 : memref<8192xi32, #tpu.memory_space<vmem>>) target_semaphore(%run_scoped3A : memref<!tpu.dma_semaphore, #tpu.memory_space<semaphore_mem>>)
        %dma_wait3A = tpu.memref_slice %arg3[%mul3A_27] : memref<335872xi32, #tpu.memory_space<hbm>> -> memref<8192xi32, #tpu.memory_space<hbm>>
        %dma_wait3A_41 = tpu.memref_slice %arg3[%mul3A_27] : memref<335872xi32, #tpu.memory_space<hbm>> -> memref<8192xi32, #tpu.memory_space<hbm>>
        tpu.wait_dma2 semaphore(%run_scoped3A : memref<!tpu.dma_semaphore, #tpu.memory_space<semaphore_mem>>) src(%dma_wait3A_41 : memref<8192xi32, #tpu.memory_space<hbm>>) dst(%arg8 : memref<8192xi32, #tpu.memory_space<vmem>>)
        tpu.yield
      }) : () -> ()
      %scan3A_28 = arith.constant 0 : i32
      %scan3A_29 = arith.constant 512 : i32
      %scan3A_30 = arith.addi %scan3A_28, %scan3A_29 : i32
      %scan3A_31 = arith.constant 1 : i32
      %scan3A_32 = scf.for %scan3A_40 = %scan3A_28 to %scan3A_30 step %scan3A_31 iter_args(%scan3A_41 = %scan3A_22) -> (i32)  : i32 {
        %mul3A_42 = arith.constant 16 : i32
        %mul3A_43 = arith.muli %scan3A_40, %mul3A_42 : i32
        %get3A = arith.index_cast %mul3A_43 : i32 to index
        %get3A_44 = tpu.vector_load %arg7[%get3A] {strides = array<i32>} : memref<8192xi32, #tpu.memory_space<vmem>>, vector<16xi32>,
        %mul3A_45 = arith.constant 16 : i32
        %mul3A_46 = arith.muli %scan3A_40, %mul3A_45 : i32
        %get3A_47 = arith.index_cast %mul3A_46 : i32 to index
        %get3A_48 = tpu.vector_load %arg8[%get3A_47] {strides = array<i32>} : memref<8192xi32, #tpu.memory_space<vmem>>, vector<16xi32>,
        %broadcast_in_dim3A_49 = vector.broadcast %mul3A_2 : i32 to vector<16xi32>
        %ge3A_50 = arith.cmpi sge, %get3A_48, %broadcast_in_dim3A_49 : vector<16xi32>
        %add3A_51 = arith.constant 320 : i32
        %add3A_52 = vector.broadcast %add3A_51 : i32 to vector<16xi32>
        %add3A_53 = arith.addi %broadcast_in_dim3A_49, %add3A_52 : vector<16xi32>
        %lt3A = arith.cmpi slt, %get3A_48, %add3A_53 : vector<16xi32>
        %and3A = arith.andi %ge3A_50, %lt3A : vector<16xi1>
        %broadcast_in_dim3A_54 = arith.constant 1 : i32
        %broadcast_in_dim3A_55 = vector.broadcast %broadcast_in_dim3A_54 : i32 to vector<16xi32>
        %broadcast_in_dim3A_56 = arith.constant 0 : i32
        %broadcast_in_dim3A_57 = vector.broadcast %broadcast_in_dim3A_56 : i32 to vector<16xi32>
        %select_n3A_58 = arith.select %and3A, %broadcast_in_dim3A_55, %broadcast_in_dim3A_57 : vector<16xi1>, vector<16xi32>
        %broadcast_in_dim3A_59 = arith.constant true
        %broadcast_in_dim3A_60 = vector.broadcast %broadcast_in_dim3A_59 : i1 to vector<16xi1>
        %masked_cumsum3A = tpu.scan <sum>, %select_n3A_58 masked %broadcast_in_dim3A_60 : vector<16xi32>, vector<16xi1> -> vector<16xi32>
        %broadcast_in_dim3A_61 = vector.broadcast %scan3A_41 : i32 to vector<16xi32>
        %add3A_62 = arith.addi %broadcast_in_dim3A_61, %masked_cumsum3A : vector<16xi32>
        %sub3A_63 = arith.subi %add3A_62, %select_n3A_58 : vector<16xi32>
        tpu.vector_store_idx %arg9[%sub3A_63], %get3A_44 masked %and3A : memref<16400xi32, #tpu.memory_space<vmem>>[vector<16xi32>], vector<16xi32>, vector<16xi1>
        %sub3A_64 = arith.subi %get3A_48, %broadcast_in_dim3A_49 : vector<16xi32>
        tpu.vector_store_idx %arg10[%sub3A_63], %sub3A_64 masked %and3A : memref<16400xi32, #tpu.memory_space<vmem>>[vector<16xi32>], vector<16xi32>, vector<16xi1>
        %all_reduce_population_count3A = tpu.all_reduce %and3A {dim = 0 : i64, kind = #tpu.reduction_kind<sum>} : vector<16xi1> -> vector<16xi32>
        %reduce_max3A = arith.constant true
        %reduce_max3A_65 = vector.broadcast %reduce_max3A : i1 to vector<16xi1>
        %reduce_max3A_66 = arith.constant -2147483648 : i32
        %reduce_max3A_67 = vector.broadcast %reduce_max3A_66 : i32 to vector<16xi32>
        %reduce_max3A_68 = arith.xori %all_reduce_population_count3A, %reduce_max3A_67 : vector<16xi32>
        %reduce_max3A_69 = tpu.scan <max>, %reduce_max3A_68 masked %reduce_max3A_65 : vector<16xi32>, vector<16xi1> -> vector<16xi32>
        %reduce_max3A_70 = arith.xori %reduce_max3A_69, %reduce_max3A_67 : vector<16xi32>
        %reduce_max3A_71 = vector.extract %reduce_max3A_70[15] : i32 from vector<16xi32>
        %add3A_72 = arith.addi %scan3A_41, %reduce_max3A_71 : i32
        scf.yield %add3A_72 : i32
      }
      %scan3A_33 = arith.constant 512 : i32
      %ge3A = arith.constant 8192 : i32
      %ge3A_34 = arith.cmpi sge, %scan3A_32, %ge3A : i32
      %convert_element_type3A = arith.extui %ge3A_34 : i1 to i32
      %cond3A = arith.constant 0 : i32
      %cond3A_35 = arith.cmpi ne, %convert_element_type3A, %cond3A : i32
      scf.if %cond3A_35 {
        %mul3A_40 = arith.constant 344064 : i32
        %mul3A_41 = arith.muli %add3A, %mul3A_40 : i32
        %add3A_42 = arith.addi %mul3A_41, %scan3A_23 : i32
        %multiple_of3A_43 = tpu.assume_multiple %add3A_42, 8 : i32
        "tpu.region"() ({
          %run_scoped3A = tpu.sem_alloc : memref<!tpu.dma_semaphore, #tpu.memory_space<semaphore_mem>>
          %dma_start3A = arith.constant 0 : i32
          %dma_start3A_55 = tpu.memref_slice %arg9[%dma_start3A] : memref<16400xi32, #tpu.memory_space<vmem>> -> memref<8192xi32, #tpu.memory_space<vmem>>
          %dma_start3A_56 = tpu.memref_slice %arg4[%multiple_of3A_43] : memref<11010048xi32, #tpu.memory_space<hbm>> -> memref<8192xi32, #tpu.memory_space<hbm>>
          %dma_start3A_57 = tpu.memref_slice %arg4[%multiple_of3A_43] : memref<11010048xi32, #tpu.memory_space<hbm>> -> memref<8192xi32, #tpu.memory_space<hbm>>
          %dma_start3A_58 = arith.constant 0 : i32
          %dma_start3A_59 = tpu.memref_slice %arg9[%dma_start3A_58] : memref<16400xi32, #tpu.memory_space<vmem>> -> memref<8192xi32, #tpu.memory_space<vmem>>
          tpu.enqueue_dma source(%dma_start3A_59 : memref<8192xi32, #tpu.memory_space<vmem>>) target(%dma_start3A_57 : memref<8192xi32, #tpu.memory_space<hbm>>) target_semaphore(%run_scoped3A : memref<!tpu.dma_semaphore, #tpu.memory_space<semaphore_mem>>)
          %dma_wait3A = arith.constant 0 : i32
          %dma_wait3A_60 = tpu.memref_slice %arg9[%dma_wait3A] : memref<16400xi32, #tpu.memory_space<vmem>> -> memref<8192xi32, #tpu.memory_space<vmem>>
          %dma_wait3A_61 = tpu.memref_slice %arg4[%multiple_of3A_43] : memref<11010048xi32, #tpu.memory_space<hbm>> -> memref<8192xi32, #tpu.memory_space<hbm>>
          %dma_wait3A_62 = tpu.memref_slice %arg4[%multiple_of3A_43] : memref<11010048xi32, #tpu.memory_space<hbm>> -> memref<8192xi32, #tpu.memory_space<hbm>>
          %dma_wait3A_63 = arith.constant 0 : i32
          %dma_wait3A_64 = tpu.memref_slice %arg9[%dma_wait3A_63] : memref<16400xi32, #tpu.memory_space<vmem>> -> memref<8192xi32, #tpu.memory_space<vmem>>
          tpu.wait_dma2 semaphore(%run_scoped3A : memref<!tpu.dma_semaphore, #tpu.memory_space<semaphore_mem>>) src(%dma_wait3A_64 : memref<8192xi32, #tpu.memory_space<vmem>>) dst(%dma_wait3A_62 : memref<8192xi32, #tpu.memory_space<hbm>>)
          tpu.yield
        }) : () -> ()
        %mul3A_44 = arith.constant 344064 : i32
        %mul3A_45 = arith.muli %add3A, %mul3A_44 : i32
        %add3A_46 = arith.addi %mul3A_45, %scan3A_23 : i32
        %multiple_of3A_47 = tpu.assume_multiple %add3A_46, 8 : i32
        "tpu.region"() ({
          %run_scoped3A = tpu.sem_alloc : memref<!tpu.dma_semaphore, #tpu.memory_space<semaphore_mem>>
          %dma_start3A = arith.constant 0 : i32
          %dma_start3A_55 = tpu.memref_slice %arg10[%dma_start3A] : memref<16400xi32, #tpu.memory_space<vmem>> -> memref<8192xi32, #tpu.memory_space<vmem>>
          %dma_start3A_56 = tpu.memref_slice %arg5[%multiple_of3A_47] : memref<11010048xi32, #tpu.memory_space<hbm>> -> memref<8192xi32, #tpu.memory_space<hbm>>
          %dma_start3A_57 = tpu.memref_slice %arg5[%multiple_of3A_47] : memref<11010048xi32, #tpu.memory_space<hbm>> -> memref<8192xi32, #tpu.memory_space<hbm>>
          %dma_start3A_58 = arith.constant 0 : i32
          %dma_start3A_59 = tpu.memref_slice %arg10[%dma_start3A_58] : memref<16400xi32, #tpu.memory_space<vmem>> -> memref<8192xi32, #tpu.memory_space<vmem>>
          tpu.enqueue_dma source(%dma_start3A_59 : memref<8192xi32, #tpu.memory_space<vmem>>) target(%dma_start3A_57 : memref<8192xi32, #tpu.memory_space<hbm>>) target_semaphore(%run_scoped3A : memref<!tpu.dma_semaphore, #tpu.memory_space<semaphore_mem>>)
          %dma_wait3A = arith.constant 0 : i32
          %dma_wait3A_60 = tpu.memref_slice %arg10[%dma_wait3A] : memref<16400xi32, #tpu.memory_space<vmem>> -> memref<8192xi32, #tpu.memory_space<vmem>>
          %dma_wait3A_61 = tpu.memref_slice %arg5[%multiple_of3A_47] : memref<11010048xi32, #tpu.memory_space<hbm>> -> memref<8192xi32, #tpu.memory_space<hbm>>
          %dma_wait3A_62 = tpu.memref_slice %arg5[%multiple_of3A_47] : memref<11010048xi32, #tpu.memory_space<hbm>> -> memref<8192xi32, #tpu.memory_space<hbm>>
          %dma_wait3A_63 = arith.constant 0 : i32
          %dma_wait3A_64 = tpu.memref_slice %arg10[%dma_wait3A_63] : memref<16400xi32, #tpu.memory_space<vmem>> -> memref<8192xi32, #tpu.memory_space<vmem>>
          tpu.wait_dma2 semaphore(%run_scoped3A : memref<!tpu.dma_semaphore, #tpu.memory_space<semaphore_mem>>) src(%dma_wait3A_64 : memref<8192xi32, #tpu.memory_space<vmem>>) dst(%dma_wait3A_62 : memref<8192xi32, #tpu.memory_space<hbm>>)
          tpu.yield
        }) : () -> ()
        %scan3A_48 = arith.constant 0 : i32
        %scan3A_49 = arith.constant 0 : i32
        %scan3A_50 = arith.constant 512 : i32
        %scan3A_51 = arith.addi %scan3A_49, %scan3A_50 : i32
        %scan3A_52 = arith.constant 1 : i32
        %scan3A_53 = scf.for %scan3A_55 = %scan3A_49 to %scan3A_51 step %scan3A_52 iter_args(%scan3A_56 = %scan3A_48) -> (i32)  : i32 {
          %mul3A_57 = arith.constant 16 : i32
          %mul3A_58 = arith.muli %scan3A_55, %mul3A_57 : i32
          %add3A_59 = arith.constant 8192 : i32
          %add3A_60 = arith.addi %add3A_59, %mul3A_58 : i32
          %get3A = arith.index_cast %add3A_60 : i32 to index
          %get3A_61 = tpu.vector_load %arg9[%get3A] {strides = array<i32>} : memref<16400xi32, #tpu.memory_space<vmem>>, vector<16xi32>,
          %mul3A_62 = arith.constant 16 : i32
          %mul3A_63 = arith.muli %scan3A_55, %mul3A_62 : i32
          %swap3A_64 = arith.index_cast %mul3A_63 : i32 to index
          %swap3A_65 = tpu.vector_load %arg9[%swap3A_64] {strides = array<i32>} : memref<16400xi32, #tpu.memory_space<vmem>>, vector<16xi32>,
          tpu.vector_store %arg9[%swap3A_64], %get3A_61 {strides = array<i32>} : memref<16400xi32, #tpu.memory_space<vmem>>, vector<16xi32>,
          %mul3A_66 = arith.constant 16 : i32
          %mul3A_67 = arith.muli %scan3A_55, %mul3A_66 : i32
          %add3A_68 = arith.constant 8192 : i32
          %add3A_69 = arith.addi %add3A_68, %mul3A_67 : i32
          %get3A_70 = arith.index_cast %add3A_69 : i32 to index
          %get3A_71 = tpu.vector_load %arg10[%get3A_70] {strides = array<i32>} : memref<16400xi32, #tpu.memory_space<vmem>>, vector<16xi32>,
          %mul3A_72 = arith.constant 16 : i32
          %mul3A_73 = arith.muli %scan3A_55, %mul3A_72 : i32
          %swap3A_74 = arith.index_cast %mul3A_73 : i32 to index
          %swap3A_75 = tpu.vector_load %arg10[%swap3A_74] {strides = array<i32>} : memref<16400xi32, #tpu.memory_space<vmem>>, vector<16xi32>,
          tpu.vector_store %arg10[%swap3A_74], %get3A_71 {strides = array<i32>} : memref<16400xi32, #tpu.memory_space<vmem>>, vector<16xi32>,
          %scan3A_76 = arith.constant 0 : i32
          scf.yield %scan3A_76 : i32
        }
        %scan3A_54 = arith.constant 512 : i32
      } else {
      }
      %sub3A = arith.constant 8192 : i32
      %sub3A_36 = arith.subi %scan3A_32, %sub3A : i32
      %select_n3A = arith.select %ge3A_34, %sub3A_36, %scan3A_32 : i32
      %add3A_37 = arith.constant 8192 : i32
      %add3A_38 = arith.addi %scan3A_23, %add3A_37 : i32
      %select_n3A_39 = arith.select %ge3A_34, %add3A_38, %scan3A_23 : i32
      scf.yield %select_n3A, %select_n3A_39 : i32, i32
    }
    %scan3A_9 = arith.constant 41 : i32
    %mul3A_10 = arith.constant 344064 : i32
    %mul3A_11 = arith.muli %add3A, %mul3A_10 : i32
    %add3A_12 = arith.addi %mul3A_11, %scan3A_8#1 : i32
    %multiple_of3A = tpu.assume_multiple %add3A_12, 8 : i32
    "tpu.region"() ({
      %run_scoped3A = tpu.sem_alloc : memref<!tpu.dma_semaphore, #tpu.memory_space<semaphore_mem>>
      %dma_start3A = arith.constant 0 : i32
      %dma_start3A_21 = tpu.memref_slice %arg9[%dma_start3A] : memref<16400xi32, #tpu.memory_space<vmem>> -> memref<8192xi32, #tpu.memory_space<vmem>>
      %dma_start3A_22 = tpu.memref_slice %arg4[%multiple_of3A] : memref<11010048xi32, #tpu.memory_space<hbm>> -> memref<8192xi32, #tpu.memory_space<hbm>>
      %dma_start3A_23 = tpu.memref_slice %arg4[%multiple_of3A] : memref<11010048xi32, #tpu.memory_space<hbm>> -> memref<8192xi32, #tpu.memory_space<hbm>>
      %dma_start3A_24 = arith.constant 0 : i32
      %dma_start3A_25 = tpu.memref_slice %arg9[%dma_start3A_24] : memref<16400xi32, #tpu.memory_space<vmem>> -> memref<8192xi32, #tpu.memory_space<vmem>>
      tpu.enqueue_dma source(%dma_start3A_25 : memref<8192xi32, #tpu.memory_space<vmem>>) target(%dma_start3A_23 : memref<8192xi32, #tpu.memory_space<hbm>>) target_semaphore(%run_scoped3A : memref<!tpu.dma_semaphore, #tpu.memory_space<semaphore_mem>>)
      %dma_wait3A = arith.constant 0 : i32
      %dma_wait3A_26 = tpu.memref_slice %arg9[%dma_wait3A] : memref<16400xi32, #tpu.memory_space<vmem>> -> memref<8192xi32, #tpu.memory_space<vmem>>
      %dma_wait3A_27 = tpu.memref_slice %arg4[%multiple_of3A] : memref<11010048xi32, #tpu.memory_space<hbm>> -> memref<8192xi32, #tpu.memory_space<hbm>>
      %dma_wait3A_28 = tpu.memref_slice %arg4[%multiple_of3A] : memref<11010048xi32, #tpu.memory_space<hbm>> -> memref<8192xi32, #tpu.memory_space<hbm>>
      %dma_wait3A_29 = arith.constant 0 : i32
      %dma_wait3A_30 = tpu.memref_slice %arg9[%dma_wait3A_29] : memref<16400xi32, #tpu.memory_space<vmem>> -> memref<8192xi32, #tpu.memory_space<vmem>>
      tpu.wait_dma2 semaphore(%run_scoped3A : memref<!tpu.dma_semaphore, #tpu.memory_space<semaphore_mem>>) src(%dma_wait3A_30 : memref<8192xi32, #tpu.memory_space<vmem>>) dst(%dma_wait3A_28 : memref<8192xi32, #tpu.memory_space<hbm>>)
      tpu.yield
    }) : () -> ()
    %mul3A_13 = arith.constant 344064 : i32
    %mul3A_14 = arith.muli %add3A, %mul3A_13 : i32
    %add3A_15 = arith.addi %mul3A_14, %scan3A_8#1 : i32
    %multiple_of3A_16 = tpu.assume_multiple %add3A_15, 8 : i32
    "tpu.region"() ({
      %run_scoped3A = tpu.sem_alloc : memref<!tpu.dma_semaphore, #tpu.memory_space<semaphore_mem>>
      %dma_start3A = arith.constant 0 : i32
      %dma_start3A_21 = tpu.memref_slice %arg10[%dma_start3A] : memref<16400xi32, #tpu.memory_space<vmem>> -> memref<8192xi32, #tpu.memory_space<vmem>>
      %dma_start3A_22 = tpu.memref_slice %arg5[%multiple_of3A_16] : memref<11010048xi32, #tpu.memory_space<hbm>> -> memref<8192xi32, #tpu.memory_space<hbm>>
      %dma_start3A_23 = tpu.memref_slice %arg5[%multiple_of3A_16] : memref<11010048xi32, #tpu.memory_space<hbm>> -> memref<8192xi32, #tpu.memory_space<hbm>>
      %dma_start3A_24 = arith.constant 0 : i32
      %dma_start3A_25 = tpu.memref_slice %arg10[%dma_start3A_24] : memref<16400xi32, #tpu.memory_space<vmem>> -> memref<8192xi32, #tpu.memory_space<vmem>>
      tpu.enqueue_dma source(%dma_start3A_25 : memref<8192xi32, #tpu.memory_space<vmem>>) target(%dma_start3A_23 : memref<8192xi32, #tpu.memory_space<hbm>>) target_semaphore(%run_scoped3A : memref<!tpu.dma_semaphore, #tpu.memory_space<semaphore_mem>>)
      %dma_wait3A = arith.constant 0 : i32
      %dma_wait3A_26 = tpu.memref_slice %arg10[%dma_wait3A] : memref<16400xi32, #tpu.memory_space<vmem>> -> memref<8192xi32, #tpu.memory_space<vmem>>
      %dma_wait3A_27 = tpu.memref_slice %arg5[%multiple_of3A_16] : memref<11010048xi32, #tpu.memory_space<hbm>> -> memref<8192xi32, #tpu.memory_space<hbm>>
      %dma_wait3A_28 = tpu.memref_slice %arg5[%multiple_of3A_16] : memref<11010048xi32, #tpu.memory_space<hbm>> -> memref<8192xi32, #tpu.memory_space<hbm>>
      %dma_wait3A_29 = arith.constant 0 : i32
      %dma_wait3A_30 = tpu.memref_slice %arg10[%dma_wait3A_29] : memref<16400xi32, #tpu.memory_space<vmem>> -> memref<8192xi32, #tpu.memory_space<vmem>>
      tpu.wait_dma2 semaphore(%run_scoped3A : memref<!tpu.dma_semaphore, #tpu.memory_space<semaphore_mem>>) src(%dma_wait3A_30 : memref<8192xi32, #tpu.memory_space<vmem>>) dst(%dma_wait3A_28 : memref<8192xi32, #tpu.memory_space<hbm>>)
      tpu.yield
    }) : () -> ()
    %add3A_17 = arith.addi %scan3A_8#1, %scan3A_8#0 : i32
    %broadcast_in_dim3A = vector.broadcast %add3A_17 : i32 to vector<16xi32>
    %swap3A = arith.constant 0 : index
    %swap3A_18 = tpu.vector_load %arg11[%swap3A] {strides = array<i32>} : memref<16xi32, #tpu.memory_space<vmem>>, vector<16xi32>,
    tpu.vector_store %arg11[%swap3A], %broadcast_in_dim3A {strides = array<i32>} : memref<16xi32, #tpu.memory_space<vmem>>, vector<16xi32>,
    %mul3A_19 = arith.constant 16 : i32
    %mul3A_20 = arith.muli %add3A, %mul3A_19 : i32
    "tpu.region"() ({
      %run_scoped3A = tpu.sem_alloc : memref<!tpu.dma_semaphore, #tpu.memory_space<semaphore_mem>>
      %dma_start3A = tpu.memref_slice %arg6[%mul3A_20] : memref<512xi32, #tpu.memory_space<hbm>> -> memref<16xi32, #tpu.memory_space<hbm>>
      %dma_start3A_21 = tpu.memref_slice %arg6[%mul3A_20] : memref<512xi32, #tpu.memory_space<hbm>> -> memref<16xi32, #tpu.memory_space<hbm>>
      tpu.enqueue_dma source(%arg11 : memref<16xi32, #tpu.memory_space<vmem>>) target(%dma_start3A_21 : memref<16xi32, #tpu.memory_space<hbm>>) target_semaphore(%run_scoped3A : memref<!tpu.dma_semaphore, #tpu.memory_space<semaphore_mem>>)
      %dma_wait3A = tpu.memref_slice %arg6[%mul3A_20] : memref<512xi32, #tpu.memory_space<hbm>> -> memref<16xi32, #tpu.memory_space<hbm>>
      %dma_wait3A_22 = tpu.memref_slice %arg6[%mul3A_20] : memref<512xi32, #tpu.memory_space<hbm>> -> memref<16xi32, #tpu.memory_space<hbm>>
      tpu.wait_dma2 semaphore(%run_scoped3A : memref<!tpu.dma_semaphore, #tpu.memory_space<semaphore_mem>>) src(%arg11 : memref<16xi32, #tpu.memory_space<vmem>>) dst(%dma_wait3A_22 : memref<16xi32, #tpu.memory_space<hbm>>)
      tpu.yield
    }) : () -> ()
    return
  }
}

</mosaic_0001>

<sc_bundles>
// kernel: _s0.3.cloned.1.call-start
scs
__scs_entry_jumppad:
0x0: {  	(pc) =	sbr.rel $0x88, $3  }
0x1: {  	(tag) =	ssettag $0x0;
	lr =	simm.s32 $0x1  }
0x2: {  	[smem:$0x3F9F] =	sst lr;
	_ =	strace $0xD0000000  }
0x3: {  	_ = 	snop  }
0x4: {  	_ = 	snop  }
0x5: {  	_ = 	snop  }
0x6: {  	_ = 	snop  }
0x7: {  	_ = 	snop  }
__scs_overlays_trampoline_lowered:
0x8: {  	[smem:$0x3FAE] =	sst s0  }
0x9: {  	[smem:$0x3FAF] =	sst s1  }
0xa: {  	[smem:$0x3FB0] =	sst s2  }
0xb: {  	[smem:$0x3FB1] =	sst s3  }
0xc: {  	[smem:$0x3FB2] =	sst s4  }
0xd: {  	[smem:$0x3FB3] =	sst s5  }
0xe: {  	[smem:$0x3FB4] =	sst s6  }
0xf: {  	[smem:$0x3FB5] =	sst s7  }
0x10: {  	[smem:$0x3FB6] =	sst s8  }
0x11: {  	[smem:$0x3FB7] =	sst s9;
	s0 =	simm.s32 @!p0 $0x0  }
0x12: {  	s1 =	sld [smem:$0x3F9D];
	s0 =	simm.s32 @p0 $0x1  }
0x13: {  	[smem:$0x3FB8] =	sst s0;
	s0 =	simm.s32 @!p1 $0x0  }
0x14: {  	s2 =	sld [smem:$0x3F9C];
	s0 =	simm.s32 @p1 $0x1  }
0x15: {  	[smem:$0x3FB9] =	sst s0;
	s0 =	simm.s32 @!p2 $0x0  }
0x16: {  	s3 =	sld [smem:$0x3FDB];
	s0 =	simm.s32 @p2 $0x1  }
0x17: {  	s4 =	simm.s32 $0x1BF5;
	[smem:$0x3FBB] =	sst s0  }
0x18: {  	s0 =	sld [smem:$0x3F9E];
	_ =	swait.ge [sflag:s4], $0x0  }
0x19: {  	s7 =	sld [smem:$0x3F9F]  }
0x1a: {  	s8 =	sadd.s32 $0xFFFFE003, lr  }
0x1b: {  	s9 =	sadd.s32 $0xFFFFFEF7, lr;
	s5 =	simm.s32 $0xFFFFFFFF;
	p2 =	slt.u32 s8, $0xFFFFF086  }
0x1c: {  	p1 =	slt.u32 s9, $0xF7A;
	s5 =	simm.s32 @!p2 $0x0  }
0x1d: {  	s5 =	simm.s32 @p1 $0x1;
	p0 =	seq.s32 s7, s2  }
0x1e: {  	s7 =	smul.u32 @!p0 $0xF7A, s2;
	p2 =	seq.s32 @!p0 s5, $0x0  }
0x1f: {  	s9 =	smul.u32 $0xF7A, s1;
	s8 =	simm.s32 @!p0 $0x1BF5;
	p2 =	por !p2, p0  }
0x20: {  	[sflag:s8] =	ssyncset.s32 @!p0 $0xFFFFF086;
	s6 =	sadd.s32 @!p0 s3, s7;
	s7 =	simm.s32 @!p0 $0x108  }
0x21: {  	s3 =	sadd.s32 s3, s9;
	s6 =	sadd.s32 @!p0 $0x88, s6;
	s7 =	simm.s32 @p2 $0x1082  }
0x22: {  	[simem:s7], [sflag:s8] =	dma.local @!p0 [hbm:s6], $0xF7A  }
0x23: {  	s9 =	sor.u32 $0xD0000000, s2;
	s6 =	simm.s32 $0x108;
	_ =	swait.ge @!p0 [sflag:s8], $0x0  }
0x24: {  	s3 =	sadd.s32 $0x88, s3;
	s6 =	simm.s32 @!p1 $0x1082;
	[sflag:s4] =	ssyncset.s32 $0xFFFFF086  }
0x25: {  	[simem:s6], [sflag:s4] =	dma.local [hbm:s3], $0xF7A  }
0x26: {  	[smem:$0x3F9F] =	sst s1;
	(tag) =	ssettag s2;
	_ =	strace s9  }
0x27: {  	s1 =	sld [smem:$0x3FAF]  }
0x28: {  	s2 =	sld [smem:$0x3FB0]  }
0x29: {  	s4 =	sld [smem:$0x3FB2]  }
0x2a: {  	p0 =	seq.s32 s5, $0x0;
	s5 =	sld [smem:$0x3FB3]  }
0x2b: {  	s6 =	sld [smem:$0x3FB4]  }
0x2c: {  	s7 =	sld [smem:$0x3FB5]  }
0x2d: {  	s3 =	simm.s32 $0x108;
	s8 =	sld [smem:$0x3FB6]  }
0x2e: {  	s3 =	simm.s32 @!p0 $0x1082;
	s9 =	sld [smem:$0x3FB7]  }
0x2f: {  	lr =	sadd.s32 s0, s3;
	s0 =	sld [smem:$0x3FAE]  }
0x30: {  	s3 =	sld [smem:$0x3FB1]  }
0x31: {  	[smem:$0x3FBA] =	sst s10  }
0x32: {  	s10 =	sld [smem:$0x3FB8];
	_ =	sdelay $0x3  }
0x33: {  	p0 =	seq.s32 s10, $0x1;
	s10 =	sld [smem:$0x3FBA];
	_ =	sdelay $0x3  }
0x34: {  	[smem:$0x3FBA] =	sst s10  }
0x35: {  	s10 =	sld [smem:$0x3FB9];
	_ =	sdelay $0x3  }
0x36: {  	p1 =	seq.s32 s10, $0x1;
	s10 =	sld [smem:$0x3FBA];
	_ =	sdelay $0x3  }
0x37: {  	[smem:$0x3FBA] =	sst s10  }
0x38: {  	s10 =	sld [smem:$0x3FBB]  }
0x39: {  	_ = 	snop;
	(pc) =	sbr.ind lr, $3  }
0x3a: {  	_ = 	snop  }
0x3b: {  	_ = 	snop  }
0x3c: {  	p2 =	seq.s32 s10, $0x1;
	s10 =	sld [smem:$0x3FBA]  }
0x3d: {  	_ =	shalt  }
0x3e: {  	_ =	shalt  }
0x3f: {  	_ =	shalt  }
0x40: {  	_ =	shalt  }
0x41: {  	_ =	shalt  }
0x42: {  	_ =	shalt  }
0x43: {  	_ =	shalt  }
0x44: {  	_ =	shalt  }
0x45: {  	_ =	shalt  }
0x46: {  	_ =	shalt  }
0x47: {  	_ =	shalt  }
0x48: {  	_ =	shalt  }
0x49: {  	_ =	shalt  }
0x4a: {  	_ =	shalt  }
0x4b: {  	_ =	shalt  }
0x4c: {  	_ =	shalt  }
0x4d: {  	_ =	shalt  }
0x4e: {  	_ =	shalt  }
0x4f: {  	_ =	shalt  }
0x50: {  	_ =	shalt  }
0x51: {  	_ =	shalt  }
0x52: {  	_ =	shalt  }
0x53: {  	_ =	shalt  }
0x54: {  	_ =	shalt  }
0x55: {  	_ =	shalt  }
0x56: {  	_ =	shalt  }
0x57: {  	_ =	shalt  }
0x58: {  	_ =	shalt  }
0x59: {  	_ =	shalt  }
0x5a: {  	_ =	shalt  }
0x5b: {  	_ =	shalt  }
0x5c: {  	_ =	shalt  }
0x5d: {  	_ =	shalt  }
0x5e: {  	_ =	shalt  }
0x5f: {  	_ =	shalt  }
0x60: {  	_ =	shalt  }
0x61: {  	_ =	shalt  }
0x62: {  	_ =	shalt  }
0x63: {  	_ =	shalt  }
0x64: {  	_ =	shalt  }
0x65: {  	_ =	shalt  }
0x66: {  	_ =	shalt  }
0x67: {  	_ =	shalt  }
0x68: {  	_ =	shalt  }
0x69: {  	_ =	shalt  }
0x6a: {  	_ =	shalt  }
0x6b: {  	_ =	shalt  }
0x6c: {  	_ =	shalt  }
0x6d: {  	_ =	shalt  }
0x6e: {  	_ =	shalt  }
0x6f: {  	_ =	shalt  }
0x70: {  	_ =	shalt  }
0x71: {  	_ =	shalt  }
0x72: {  	_ =	shalt  }
0x73: {  	_ =	shalt  }
0x74: {  	_ =	shalt  }
0x75: {  	_ =	shalt  }
0x76: {  	_ =	shalt  }
0x77: {  	_ =	shalt  }
0x78: {  	_ =	shalt  }
0x79: {  	_ =	shalt  }
0x7a: {  	_ =	shalt  }
0x7b: {  	_ =	shalt  }
0x7c: {  	_ =	shalt  }
0x7d: {  	_ =	shalt  }
0x7e: {  	_ =	shalt  }
0x7f: {  	_ =	shalt  }
0x80: {  	_ =	shalt  }
0x81: {  	_ =	shalt  }
0x82: {  	_ =	shalt  }
0x83: {  	_ =	shalt  }
0x84: {  	_ =	shalt  }
0x85: {  	_ =	shalt  }
0x86: {  	_ =	shalt  }
0x87: {  	_ =	shalt  }
.Lfunc_end0:
.L_simem_size_0:
called_computation_lowered:
.L_overlay_start_0:
0x88: {  	s2 =	sld [smem:$0x3FD9]  }
0x89: {  	s3 =	sld [smem:$0x3FFE];
	_ =	sdelay $0x1  }
0x8a: {  	s1 =	srdreg.scid  }
0x8b: {  	s0 =	sand.u32 $0x1, s1  }
0x8c: {  	s15 =	sshll.u32 s0, $0xA;
	s2 =	sadd.s32 s3, s2  }
0x8d: {  	s2 =	sadd.s32 s2, s15  }
0x8e: {  	[smem:$0x3FC6] =	sst s2  }
0x8f: {  	_ = 	snop  }
0x90: {  	s2 =	sld [smem:$0x3FD0];
	_ =	sdelay $0x1  }
0x91: {  	s16 =	sld [smem:$0x3FC9]  }
0x92: {  	s5 =	simm.s32 $0xA;
	s6 =	simm.s32 $0x10;
	s4 =	sld [smem:$0x3FC8]  }
0x93: {  	[smem:s6], [sflag:s5] =	dma.local [hbm:s2], $0x1  }
0x94: {  	_ =	swait.eq [sflag:s5], $0x1  }
0x95: {  	s17 =	sld [smem:$0x10];
	[sflag:s5] =	ssyncset.done $0x0  }
0x96: {  	s18 =	sld [smem:$0x11];
	[sflag:s5] =	ssyncadd.s32 $0xFFFFFFFF  }
0x97: {  	s19 =	sld [smem:$0x12];
	(tm) =	ssettm $0x1  }
0x98: {  	s7 =	sld [smem:$0x3FFB];
	_ =	sdelay $0x3  }
0x99: {  	_ =	strace s7  }
0x9a: {  	s7 =	sld [smem:$0x3FFC];
	_ =	sdelay $0x3  }
0x9b: {  	_ =	strace s7  }
0x9c: {  	s7 =	sld [smem:$0x3FFD];
	_ =	sdelay $0x3  }
0x9d: {  	_ =	strace s7  }
0x9e: {  	_ =	strace $0x8FFFFFFF  }
0x9f: {  	s20 =	sld [smem:$0x3FDB];
	_ =	sdelay $0x1  }
0xa0: {  	s8 =	simm.s32 $_scs_section_size  }
0xa1: {  	s9 =	simm.s32 $_size__tile_overlayer_lowered;
	s10 =	simm.s32 $_tile_overlayer_lowered  }
0xa2: {  	s23 =	simm.s32 $0x1BFF;
	s22 =	sshll.u32 s10, $0x1;
	s7 =	sadd.s32 s8, s20  }
0xa3: {  	s11 =	simm.s32 $0x0;
	s21 =	sshll.u32 s9, $0x1;
	s9 =	sadd.s32 s22, s7  }
0xa4: {  	[timem:s11], [sflag:s23] =	dma.local [hbm:s9], s21  }
0xa5: {  	_ =	swait.ge [sflag:s23], s21  }
0xa6: {  	s8 =	ssub.s32 $0x0, s21;
	[sflag:s23] =	ssyncset.done $0x0  }
0xa7: {  	[sflag:s23] =	ssyncadd.s32 s8;
	_ =	sdelay $0x1  }
0xa8: {  	s24 =	simm.s32 $0x1B8B  }
0xa9: {  	_ =	swait.ge [sflag:s24], $0x1  }
0xaa: {  	[sflag:s24] =	ssyncset.done $0x0  }
0xab: {  	s25 =	simm.s32 $0x1B8E;
	[sflag:s24] =	ssyncadd.s32 $0xFFFFFFFF  }
0xac: {  	s26 =	simm.s32 $execute0_lowered;
	[smem:$0x3FD2] =	sst s25  }
0xad: {  	s8 =	sshll.u32 s26, $0x1;
	_ =	strace $0x80000046;
	[dreg:$0x1] =	wrdreg $0xFFFFFFFF  }
0xae: {  	s28 =	simm.s32 $_size_execute0_lowered;
	s7 =	sadd.s32 s7, s8;
	[dreg:$0x0] =	wrdreg $0x0  }
0xaf: {  	s8 =	sshll.u32 s28, $0x1;
	[dreg:$0x2] =	wrdreg s7  }
0xb0: {  	[dreg:$0x3] =	wrdreg s8  }
0xb1: {  	[dreg:$0x4] =	wrdreg $0xC0  }
0xb2: {  	_ =	task [dreg:s11], $0x5FFFF  }
0xb3: {  	[dreg:$0x1] =	wrdreg $0xFFFFFFFF  }
0xb4: {  	[dreg:$0x0] =	wrdreg $0x60  }
0xb5: {  	[dreg:$0x2] =	wrdreg s16  }
0xb6: {  	[dreg:$0x3] =	wrdreg s4  }
0xb7: {  	[dreg:$0x4] =	wrdreg s17  }
0xb8: {  	[dreg:$0x5] =	wrdreg s18  }
0xb9: {  	[dreg:$0x6] =	wrdreg s19  }
0xba: {  	[dreg:$0x7] =	wrdreg $0x9  }
0xbb: {  	_ =	task.clear_ibuf [dreg:s11], $0x8FFFF;
	_ =	strace $0x90000046  }
0xbc: {  	s29 =	simm.s32 $0x9;
	_ =	strace $0x80000048  }
0xbd: {  	_ =	swait.ge [sflag:s29], $0x1  }
0xbe: {  	[sflag:s29] =	ssyncadd.s32 $0xFFFFFFFF  }
0xbf: {  	_ =	strace $0x90000048  }
0xc0: {  	_ =	sfence  }
0xc1: {  	s30 =	sld [smem:$0x0];
	_ =	sdelay $0x2  }
0xc2: {  	s31 =	sshll.u32 s1, $0xD;
	s1 =	sshrl.u32 s1, $0x2  }
0xc3: {  	s3 =	sand.u32 $0x4000, s31;
	s1 =	sadd.s32 s1, s30  }
0xc4: {  	s0 =	sor.u32 s3, s0;
	s1 =	sshll.u32 s1, $0x11  }
0xc5: {  	s0 =	sor.u32 s1, s0  }
0xc6: {  	s0 =	sadd.s32 $0x8F2B, s0  }
0xc7: {  	[sflag:s0] =	ssyncadd.remote.s32 $0x1  }
0xc8: {  	_ =	sfence.sel $0xFFFF  }
0xc9: {  	[dreg:$0x0] =	wrdreg $0xFFFFFFFF;
	(pc) =	sbr.abs _section_cstart, $3  }
0xca: {  	[dreg:$0x1] =	wrdreg $0xFFFFFFFF  }
0xcb: {  	_ =	task.clear_ibuf [dreg:s11], $0x2FFFF;
	_ =	strace $0x9FFFFFFF  }
0xcc: {  	(tm) =	ssettm $0x7FFFFFFF  }
0xcd: {  	_ =	shalt  }
tec
execute0_lowered:
.L_overlay_start_1:
0x0: {  	(tag) =	ssettag $0x1  }
0x1: {  	s1 =	rddreg [dreg:$0x0]  }
0x2: {  	s2 =	rddreg [dreg:$0x1]  }
0x3: {  	s3 =	rddreg [dreg:$0x2]  }
0x4: {  	s4 =	rddreg [dreg:$0x3]  }
0x5: {  	s8 =	rddreg [dreg:$0x4]  }
0x6: {  	s0 =	rddreg [dreg:$0x5];
	s7 =	srdreg.scid;
	s6 =	simm.s32 $0x0  }
0x7: {  	s5 =	stileid.u32;
	s12 =	simm.s32 $0x4000;
	s13 =	simm.s32 $0x8080  }
0x8: {  	s14 =	simm.s32 $0xC100;
	s7 =	sand.u32 $0x1, s7;
	s10 =	sshll.u32 s5, $0x1  }
.Ltmp0:
0x9: {  	s9 =	ssub.s32 $0x2, s7;
	s7 =	sor.u32 s7, s10;
	(pc) =	sbr.rel .LBB2_1-.Ltmp0, $4  }
0xa: {  	s15 =	simm.s32 $0x0;
	[smem:$0x7FF] =	sst s6;
	s10 =	smul.u32 $0x140, s7  }
0xb: {  	_ =	strace $0x80000047;
	s11 =	sshrl.u32 s9, $0x1;
	s31 =	sshll.u32 s7, $0x1  }
0xc: {  	s7 =	smul.u32 $0x54000, s7;
	s9 =	ssub.s32 s9, s11;
	s8 =	sadd.s32 s8, s31;
	v0 =	vmov s10  }
0xd: {  	v2 =	vimm.s32 $0x0;
	s11 =	simm.s32 $0x2000;
	s9 =	smax.u32 s9, $0x1;
	s10 =	simm.s32 $0x1;
	v1 =	vadd.s32 $0x140, v0  }
.LBB2_9:
0xe: {  	s17 =	sadd.s32 s7, s16  }
0xf: {  	s17 =	sshrl.u32 s17, $0x3  }
0x10: {  	s19 =	sadd.s32 s3, s17  }
0x11: {  	[hbm4b:s19+s6] =	stream.linear.scatter [tilespmem:s12], [sflag:$0x1], $0x2000, $0x38;
	[tilespmem:$0xC180] =	vst v63  }
0x12: {  	_ =	swait.ge [sflag:s10], $0x2000  }
0x13: {  	[sflag:s10] =	ssyncset.done $0x0  }
0x14: {  	s17 =	sadd.s32 s4, s17;
	[sflag:s10] =	ssyncadd.s32 $0xFFFFE000  }
0x15: {  	[hbm4b:s17+s6] =	stream.linear.scatter [tilespmem:s13], [sflag:$0x1], $0x2000, $0x38;
	[tilespmem:$0xC180] =	vst v63  }
0x16: {  	_ =	swait.ge [sflag:s10], $0x2000  }
0x17: {  	s31 =	sadd.s32 s18, s16;
	s15 =	sadd.s32 $0x1, s15;
	[sflag:s10] =	ssyncset.done $0x0  }
0x18: {  	v3 =	vmov s31;
	p0 =	sne.s32 s15, s9;
	[sflag:s10] =	ssyncadd.s32 $0xFFFFE000  }
.Ltmp1:
0x19: {  	[tilespmem:$0xC100] =	vst v3;
	(pc) =	sbr.rel @!p0 .LBB2_10-.Ltmp1, $4  }
0x1a: {  	[hbm4b:s8+s6] =	stream.linear.scatter [tilespmem:s14], [sflag:$0x1], $0x10, $0x38;
	[tilespmem:$0xC180] =	vst v63  }
0x1b: {  	_ =	swait.ge [sflag:s10], $0x10  }
0x1c: {  	[sflag:s10] =	ssyncset.done $0x0  }
0x1d: {  	[sflag:s10] =	ssyncadd.s32 $0xFFFFFFF0  }
.LBB2_1:
.Ltmp2:
0x1e: {  	(pc) =	sbr.rel .LBB2_2-.Ltmp2, $2  }
0x1f: {  	_ =	sdelay $0x2  }
0x20: {  	s16 =	simm.s32 $0x0;
	s18 =	simm.s32 $0x0;
	s17 =	simm.s32 $0x0  }
.LBB2_8:
0x21: {  	s17 =	sadd.s32 $0x1, s17  }
0x22: {  	p1 =	sne.s32 s17, $0x29  }
.Ltmp3:
0x23: {  	_ = 	snop;
	(pc) =	sbr.rel @!p1 .LBB2_9-.Ltmp3, $3  }
0x24: {  	_ =	sdelay $0x1  }
0x25: {  	p0 =	sgt.s32 s18, $0x1FFF;
	s19 =	sadd.s32 $0xFFFFE000, s18;
	s20 =	sadd.s32 $0x2000, s16  }
0x26: {  	s18 =	smov.u32 @p0 s19;
	s16 =	smov.u32 @p0 s20  }
.LBB2_2:
0x27: {  	s19 =	sshll.u32 s17, $0xA  }
0x28: {  	s21 =	simm.s32 $0x0;
	s20 =	sadd.s32 s1, s19  }
0x29: {  	[tilespmem:s21], [sflag:$0x1] =	stream.linear.gather [hbm4b:s20+s21], $0x2000, $0x38;
	[tilespmem:$0xC180] =	vst v63  }
0x2a: {  	_ =	swait.ge [sflag:s10], $0x2000  }
0x2b: {  	[sflag:s10] =	ssyncset.done $0x0  }
0x2c: {  	s19 =	sadd.s32 s2, s19;
	[sflag:s10] =	ssyncadd.s32 $0xFFFFE000  }
0x2d: {  	[tilespmem:s11], [sflag:$0x1] =	stream.linear.gather [hbm4b:s19+s21], $0x2000, $0x38;
	[tilespmem:$0xC180] =	vst v63  }
0x2e: {  	_ =	swait.ge [sflag:s10], $0x2000  }
0x2f: {  	[sflag:s10] =	ssyncset.done $0x0  }
0x30: {  	s30 =	simm.s32 $0x0;
	[sflag:s10] =	ssyncadd.s32 $0xFFFFE000  }
0x31: {  	v3 =	vld [tilespmem:s30+$0x2000];
	_ =	sdelay $0x4  }
0x32: {  	vm0 =	vge.s32 v3, v0;
	vm1 =	vlt.s32 v3, v1  }
0x33: {  	vm0 =	vmand vm0, vm1  }
0x34: {  	v4 =	vmpcnt.ones.xlane vm0  }
0x35: {  	v5 =	vsel vm0, $0x1, v2  }
0x36: {  	(xrf0) =	vadd.scan.msk.s32 $0xffff, v5;
	v4 =	vxor.u32 $0x80000000, v4  }
0x37: {  	(xrf0) =	vmax.scan.msk.u32 $0xffff, v4;
	_ =	sdelay $0x3  }
0x38: {  	v4 =	vsel vm0, $0xFFFFFFFF, v2  }
0x39: {  	v4 =	vadd.s32 s18, v4;
	v5, _, _ =	vpop (xrf0)  }
0x3a: {  	v6 =	vld [tilespmem:s30+$0x0];
	v4 =	vadd.s32 v5, v4;
	v5, _, _ =	vpop (xrf0)  }
0x3b: {  	(v2sf) =	vpush v5, $0xF;
	_ =	sdelay $0x3  }
0x3c: {  	v3 =	vsub.s32 v3, v0;
	[tilespmem:v4+s12+$0x0] =	vst.idx.msk vm0, v6  }
0x3d: {  	s19 =	simm.s32 $0x10;
	[tilespmem:v4+s13+$0x0] =	vst.idx.msk vm0, v3  }
0x3e: {  	v3 =	vld [tilespmem:s19+$0x2000];
	_ =	sdelay $0x4  }
0x3f: {  	vm0 =	vge.s32 v3, v0;
	vm1 =	vlt.s32 v3, v1  }
0x40: {  	vm0 =	vmand vm0, vm1  }
0x41: {  	v4 =	vmpcnt.ones.xlane vm0;
	v5 =	vsel vm0, $0x1, v2  }
0x42: {  	(xrf0) =	vadd.scan.msk.s32 $0xffff, v5  }
0x43: {  	v4 =	vxor.u32 $0x80000000, v4;
	s31 =	spop (v2sf)  }
0x44: {  	s20 =	simm.s32 $0x80;
	(xrf0) =	vmax.scan.msk.u32 $0xffff, v4;
	s18 =	sadd.s32 s31, s18  }
.LBB2_3:
0x45: {  	p0 =	sne.s32 s20, $0x7FC0  }
0x46: {  	s18 =	sadd.s32 $0x80000000, s18;
	s21 =	smov.u32 s20;
	s20 =	sadd.s32 $0x40, s20  }
0x47: {  	v4 =	vsel vm0, $0xFFFFFFFF, v2  }
0x48: {  	v4 =	vadd.s32 s18, v4;
	v5, _, _ =	vpop (xrf0)  }
0x49: {  	v6 =	vld [tilespmem:s19+$0x0];
	v4 =	vadd.s32 v5, v4  }
0x4a: {  	v5, _, _ =	vpop (xrf0)  }
0x4b: {  	(v2sf) =	vpush v5, $0xF;
	_ =	sdelay $0x2  }
0x4c: {  	v3 =	vsub.s32 v3, v0;
	[tilespmem:v4+s12+$0x0] =	vst.idx.msk vm0, v6  }
0x4d: {  	s19 =	sshra.s32 s21, $0x2;
	[tilespmem:v4+s13+$0x0] =	vst.idx.msk vm0, v3  }
0x4e: {  	v3 =	vld [tilespmem:s19+$0x2000];
	_ =	sdelay $0x4  }
0x4f: {  	vm0 =	vge.s32 v3, v0;
	vm1 =	vlt.s32 v3, v1  }
0x50: {  	vm0 =	vmand vm0, vm1  }
.Ltmp4:
0x51: {  	v4 =	vsel vm0, $0x1, v2;
	v5 =	vmpcnt.ones.xlane vm0;
	(pc) =	sbr.rel @p0 .LBB2_3-.Ltmp4, $4  }
0x52: {  	(xrf0) =	vadd.scan.msk.s32 $0xffff, v4  }
0x53: {  	v4 =	vxor.u32 $0x80000000, v5  }
0x54: {  	(xrf0) =	vmax.scan.msk.u32 $0xffff, v4;
	s21 =	spop (v2sf)  }
0x55: {  	s18 =	sadd.s32 s21, s18  }
0x56: {  	_ =	sdelay $0x2  }
0x57: {  	v4, _, _ =	vpop (xrf0)  }
0x58: {  	v5, _, _ =	vpop (xrf0)  }
0x59: {  	(v2sf) =	vpush v5, $0xF;
	_ =	sdelay $0xe  }
0x5a: {  	s18 =	sadd.s32 $0x80000000, s18;
	v63 =	vsel vm0, $0xFFFFFFFF, v2;
	s31 =	spop (v2sf)  }
0x5b: {  	v5 =	vadd.s32 s18, v63;
	s18 =	sadd.s32 s31, s18  }
0x5c: {  	v6 =	vld [tilespmem:s19+$0x0];
	v4 =	vadd.s32 v4, v5;
	s18 =	sadd.s32 $0x80000000, s18  }
0x5d: {  	p0 =	slt.s32 s18, $0x2000  }
.Ltmp5:
0x5e: {  	_ = 	snop;
	(pc) =	sbr.rel @p0 .LBB2_8-.Ltmp5, $3  }
0x5f: {  	_ =	sdelay $0x1  }
0x60: {  	v3 =	vsub.s32 v3, v0;
	[tilespmem:v4+s12+$0x0] =	vst.idx.msk vm0, v6  }
0x61: {  	[tilespmem:v4+s13+$0x0] =	vst.idx.msk vm0, v3  }
0x62: {  	s19 =	sadd.s32 s7, s16  }
0x63: {  	s19 =	sshrl.u32 s19, $0x3  }
0x64: {  	s21 =	simm.s32 $0x0;
	s20 =	sadd.s32 s3, s19  }
0x65: {  	[hbm4b:s20+s21] =	stream.linear.scatter [tilespmem:s12], [sflag:$0x1], $0x2000, $0x38;
	[tilespmem:$0xC180] =	vst v63  }
0x66: {  	_ =	swait.ge [sflag:s10], $0x2000  }
0x67: {  	[sflag:s10] =	ssyncset.done $0x0  }
0x68: {  	s19 =	sadd.s32 s4, s19;
	[sflag:s10] =	ssyncadd.s32 $0xFFFFE000  }
0x69: {  	[hbm4b:s19+s21] =	stream.linear.scatter [tilespmem:s13], [sflag:$0x1], $0x2000, $0x38;
	[tilespmem:$0xC180] =	vst v63  }
0x6a: {  	_ =	swait.ge [sflag:s10], $0x2000  }
0x6b: {  	[sflag:s10] =	ssyncset.done $0x0  }
0x6c: {  	s19 =	simm.s32 $0x0;
	[sflag:s10] =	ssyncadd.s32 $0xFFFFE000  }
0x6d: {  	v3 =	vld [tilespmem:s19+$0xA080]  }
0x6e: {  	s20 =	simm.s32 $0x40;
	v4 =	vld [tilespmem:s19+$0x6000]  }
.LBB2_6:
0x6f: {  	p0 =	sne.s32 s20, $0x7FC0  }
.Ltmp6:
0x70: {  	_ = 	snop;
	(pc) =	sbr.rel @p0 .LBB2_6-.Ltmp6, $4  }
0x71: {  	_ = 	snop  }
0x72: {  	s21 =	sshra.s32 s20, $0x2;
	s20 =	sadd.s32 $0x40, s20;
	[tilespmem:s19+$0x8080] =	vst v3  }
0x73: {  	v3 =	vld [tilespmem:s21+$0xA080];
	[tilespmem:s19+$0x4000] =	vst v4;
	s19 =	smov.u32 s21  }
0x74: {  	v4 =	vld [tilespmem:s19+$0x6000]  }
.Ltmp7:
0x75: {  	_ = 	snop;
	(pc) =	sbr.rel .LBB2_8-.Ltmp7, $3  }
0x76: {  	_ =	sdelay $0x1  }
0x77: {  	[tilespmem:s19+$0x8080] =	vst v3  }
0x78: {  	[tilespmem:s19+$0x4000] =	vst v4  }
.LBB2_10:
0x79: {  	_ =	sfence.sel $0x180000  }
0x7a: {  	[bflag:$0x0] =	sbarrier.arrive $0xFFFF  }
0x7b: {  	p0 =	sne.s32 s5, $0x0;
	_ =	strace $0x90000047  }
0x7c: {  	s0 =	sadd.s32 @!p0 $0x100000, s0;
	[bflag:$0x2] =	sbarrier.arrive $0xFFFF  }
0x7d: {  	[sflag:s0] =	ssyncadd.tile.s32 @!p0 $0x1;
	_ =	shalt  }
.Lfunc_end2:
_tile_overlayer_lowered:
.L_overlay_start_2:
0x7e: {  	(tag) =	ssettag $0x2  }
0x7f: {  	s0 =	rddreg [dreg:$0x0];
	s2 =	stileid.u32  }
0x80: {  	s1 =	rddreg [dreg:$0x1];
	p0 =	sne.s32 s2, $0x0  }
0x81: {  	s3 =	rddreg [dreg:$0x2];
	[bflag:$0x3] =	sbarrier.arrive $0xFFFF;
	s2 =	simm.s32 @!p0 $0x1C01  }
0x82: {  	[timem:s3], [sflag:s2] =	dma.local @!p0 [hbm:s0], s1  }
0x83: {  	s0 =	simm.s32 @!p0 $0x1  }
0x84: {  	_ =	swait.ge @!p0 [sflag:s0], s1  }
0x85: {  	s1 =	ssub.s32 @!p0 $0x0, s1;
	[sflag:s0] =	ssyncset.done @!p0 $0x0  }
0x86: {  	[sflag:s0] =	ssyncadd.s32 @!p0 s1  }
0x87: {  	[bflag:$0x3] =	sbarrier.arrive $0xFFFF  }
0x88: {  	_ =	shalt  }

</sc_bundles>
